<compile_context>
chip_gen: v7x
topology: tpu7x:2x2x1
jax: 0.10.2.dev20260603
libtpu: 0.0.44.dev20260713+nightly
codegen_flags: <defaults>
</compile_context>

<pallas_src>
import functools

import jax
import jax.numpy as jnp
from jax import lax
from jax.experimental import pallas as pl
from jax.experimental.pallas import tpu as pltpu
from jax.experimental.pallas import tpu_sc as plsc

MAX_TILES = 4
BATCH = 8
PATCHES = 1025
HIDDEN = 1280
LANES = 16
NCORES = 2
NSUB = 16
NWORKERS = NCORES * NSUB
ZERO_ROW = MAX_TILES * MAX_TILES

CHUNK = 256
CPS = 4
NCH = NWORKERS * CPS
TAIL_P = CPS * CHUNK
K = 8



def _sc_rows_body(eidx_ref, tab_ref, out_ref, idxbuf, e_buf, sem):
    c_idx = lax.axis_index("c")
    s_idx = lax.axis_index("s")
    w = s_idx * NCORES + c_idx

    pltpu.sync_copy(eidx_ref.at[w], idxbuf)
    pltpu.async_copy(tab_ref.at[idxbuf], e_buf, sem).wait()
    pltpu.sync_copy(e_buf, out_ref.at[w])


@jax.jit
def _sc_rows(eidx, table):
    mesh = plsc.VectorSubcoreMesh(core_axis_name="c", subcore_axis_name="s")
    k = functools.partial(
        pl.kernel,
        mesh=mesh,
        out_type=jax.ShapeDtypeStruct((NWORKERS, 8, HIDDEN), jnp.float32),
        scratch_types=[
            pltpu.VMEM((8,), jnp.int32),
            pltpu.VMEM((8, HIDDEN), jnp.float32),
            pltpu.SemaphoreType.DMA,
        ],
    )(_sc_rows_body)
    return k(eidx, table)



def _tc_body(hid_ref, rows_ref, out_ref, ibuf, obuf, tibuf, tobuf,
             sin, sout, tsin, tsout):

    def hid_slice(g):
        w = g // CPS
        ci = g % CPS
        return (w // MAX_TILES, w % MAX_TILES, pl.ds(ci * CHUNK, CHUNK))

    def copy_in(g, s):
        b, t, dp = hid_slice(g)
        return pltpu.make_async_copy(hid_ref.at[b, t, dp, :], ibuf.at[s],
                                     sin.at[s])

    def copy_out(g, s):
        b, t, dp = hid_slice(g)
        return pltpu.make_async_copy(obuf.at[s], out_ref.at[b, t, dp, :],
                                     sout.at[s])

    tail_in = pltpu.make_async_copy(
        hid_ref.at[:, :, pl.ds(TAIL_P, 1), :], tibuf, tsin)
    tail_in.start()

    for s in range(K):
        copy_in(s, s).start()

    def step(g, s):
        w = g // CPS
        copy_in(g, s).wait()
        r = rows_ref[pl.ds(w, 1), pl.ds(0, 1), :]

        @pl.when(g >= K)
        def _():
            copy_out(g - K, s).wait()

        obuf[s] = ibuf[s] + r[0]
        copy_out(g, s).start()

        @pl.when(g + K < NCH)
        def _():
            copy_in(g + K, s).start()

    def round_body(m, carry):
        g0 = m * K
        for s in range(K):
            step(g0 + s, s)
        return carry

    lax.fori_loop(0, NCH // K, round_body, 0)

    tail_in.wait()
    r_all = rows_ref[:, pl.ds(0, 1), :]
    tobuf[...] = tibuf[...] + r_all.reshape(BATCH, MAX_TILES, 1, HIDDEN)
    tail_out = pltpu.make_async_copy(
        tobuf, out_ref.at[:, :, pl.ds(TAIL_P, 1), :], tsout)
    tail_out.start()

    for s in range(K):
        copy_out(NCH - K + s, s).wait()
    tail_out.wait()


@jax.jit
def _tc_add(hidden_state, rows):
    return pl.pallas_call(
        _tc_body,
        in_specs=[
            pl.BlockSpec(memory_space=pl.ANY),
            pl.BlockSpec(memory_space=pltpu.VMEM),
        ],
        out_specs=pl.BlockSpec(memory_space=pl.ANY),
        out_shape=jax.ShapeDtypeStruct((BATCH, MAX_TILES, PATCHES, HIDDEN),
                                       jnp.float32),
        scratch_shapes=[
            pltpu.VMEM((K, CHUNK, HIDDEN), jnp.float32),
            pltpu.VMEM((K, CHUNK, HIDDEN), jnp.float32),
            pltpu.VMEM((BATCH, MAX_TILES, 1, HIDDEN), jnp.float32),
            pltpu.VMEM((BATCH, MAX_TILES, 1, HIDDEN), jnp.float32),
            pltpu.SemaphoreType.DMA((K,)),
            pltpu.SemaphoreType.DMA((K,)),
            pltpu.SemaphoreType.DMA,
            pltpu.SemaphoreType.DMA,
        ],
    )(hidden_state, rows)


def kernel(hidden_state, aspect_ratios, embedding, gate):
    scale = jnp.tanh(gate)[0]
    table = embedding.astype(jnp.float32).reshape(MAX_TILES * MAX_TILES,
                                                  HIDDEN) * scale
    table = jnp.concatenate([table, jnp.zeros((1, HIDDEN), jnp.float32)], axis=0)

    h = aspect_ratios[:, 0]
    wd = aspect_ratios[:, 1]
    n = h * wd
    p = jnp.arange(MAX_TILES, dtype=jnp.int32)
    sw = jnp.maximum(wd, 1)
    row = p[None, :] // sw[:, None]
    col = p[None, :] % sw[:, None]
    eidx = jnp.where(p[None, :] < n[:, None], row * MAX_TILES + col, ZERO_ROW)
    eidx = jnp.broadcast_to(eidx.reshape(NWORKERS, 1), (NWORKERS, 8))
    eidx = eidx.astype(jnp.int32)

    rows = _sc_rows(eidx, table)
    return _tc_add(hidden_state, rows)

# --- scband reference (transcript-rebuilt; emitter-appended) ---
"""Pipeline reference for scband-mllama-tile-position-embedding-36532991820269 (READ-ONLY COPY).

The authoritative reference and input builder live on the scoring server;
editing this copy changes nothing except your own understanding.
"""

import jax, jax.numpy as jnp
import numpy as np

MAX_NUM_TILES = 4
HIDDEN_SIZE = 1280
BATCH = 8
NUM_PATCHES = 1025


def setup_inputs(seed: int = 0) -> dict:
    key = jax.random.key(seed)
    k1, k2, k3, k4 = jax.random.split(key, 4)
    hidden_state = jax.random.normal(k1, (BATCH, MAX_NUM_TILES, NUM_PATCHES, HIDDEN_SIZE), dtype=jnp.float32)
    # aspect ratios (height, width) in [0, 3) so height*width <= 4 = max_num_tiles
    aspect_ratios = jax.random.randint(k2, (BATCH, 2), 0, 3, dtype=jnp.int32)
    # learned params per init_kwargs: embedding = randn(max_num_tiles, max_num_tiles, 1, hidden) / hidden**-0.5
    scale = HIDDEN_SIZE ** (-0.5)
    embedding = jax.random.normal(k3, (MAX_NUM_TILES, MAX_NUM_TILES, 1, HIDDEN_SIZE), dtype=jnp.float32) / scale
    gate = jax.random.normal(k4, (1,), dtype=jnp.float32) * 0.1
    return {"hidden_state": hidden_state, "aspect_ratios": aspect_ratios, "embedding": embedding, "gate": gate}


def reference(hidden_state, aspect_ratios, embedding, gate):
    num_tiles = MAX_NUM_TILES
    height = aspect_ratios[:, 0]
    width = aspect_ratios[:, 1]
    n = height * width
    p = jnp.arange(num_tiles, dtype=aspect_ratios.dtype)
    safe_width = jnp.maximum(width, 1)
    row = p[None, :] // safe_width[:, None]
    col = p[None, :] % safe_width[:, None]
    tile_embedding = embedding[row, col].astype(hidden_state.dtype)
    mask = (p[None, :] < n[:, None])[:, :, None, None]
    out_tile_embedding = jnp.where(mask, tile_embedding, jnp.zeros((), dtype=hidden_state.dtype))
    # gated
    out_tile_embedding = out_tile_embedding * jnp.tanh(gate)
    return hidden_state + out_tile_embedding

if __name__ == "__main__":
    import jax
    _d = setup_inputs()
    print(jax.jit(kernel)(*tuple(_d.values())))

</pallas_src>

<mosaic_0001>
#map = affine_map<(d0, d1) -> (0, 0)>
#map1 = affine_map<(d0, d1) -> (0, 0, 0)>
module attributes {stable_mosaic.version = 14 : i64} {
  func.func @_sc_rows_body(%arg0: i32, %arg1: i32, %arg2: memref<32x8xi32, #tpu.memory_space<hbm>>, %arg3: memref<17x1280xf32, #tpu.memory_space<hbm>>, %arg4: memref<32x8x1280xf32, #tpu.memory_space<hbm>>, %arg5: memref<8xi32, #tpu.memory_space<vmem>>, %arg6: memref<8x1280xf32, #tpu.memory_space<vmem>>, %arg7: memref<!tpu.dma_semaphore, #tpu.memory_space<semaphore_mem>>) attributes {dimension_semantics = [#tpu.dimension_semantics<core_parallel>, #tpu.dimension_semantics<subcore_parallel>], iteration_bounds = array<i64: 2, 16>, scalar_prefetch = 0 : i64, scratch_operands = 3 : i64, tpu.core_type = #tpu.core_type<sc_vector_subcore>, window_params = [{transform_indices = #map}, {transform_indices = #map}, {transform_indices = #map1}]} {
    %mul3A = arith.constant 2 : i32
    %mul3A_0 = arith.muli %arg1, %mul3A : i32
    %add3A = arith.addi %mul3A_0, %arg0 : i32
    "tpu.region"() ({
      %run_scoped3A = tpu.sem_alloc : memref<!tpu.dma_semaphore, #tpu.memory_space<semaphore_mem>>
      %dma_start3A_5 = arith.constant 0 : i32
      %dma_start3A_6 = tpu.memref_slice %arg2[%add3A, %dma_start3A_5] : memref<32x8xi32, #tpu.memory_space<hbm>> -> memref<1x8xi32, #tpu.memory_space<hbm>>
      %dma_start3A_7 = tpu.memref_squeeze %dma_start3A_6 : memref<1x8xi32, #tpu.memory_space<hbm>> -> memref<8xi32, #tpu.memory_space<hbm>>
      %dma_start3A_8 = arith.constant 0 : i32
      %dma_start3A_9 = tpu.memref_slice %arg2[%add3A, %dma_start3A_8] : memref<32x8xi32, #tpu.memory_space<hbm>> -> memref<1x8xi32, #tpu.memory_space<hbm>>
      %dma_start3A_10 = tpu.memref_squeeze %dma_start3A_9 : memref<1x8xi32, #tpu.memory_space<hbm>> -> memref<8xi32, #tpu.memory_space<hbm>>
      tpu.enqueue_dma source(%dma_start3A_10 : memref<8xi32, #tpu.memory_space<hbm>>) target(%arg5 : memref<8xi32, #tpu.memory_space<vmem>>) target_semaphore(%run_scoped3A : memref<!tpu.dma_semaphore, #tpu.memory_space<semaphore_mem>>)
      %dma_wait3A_11 = arith.constant 0 : i32
      %dma_wait3A_12 = tpu.memref_slice %arg2[%add3A, %dma_wait3A_11] : memref<32x8xi32, #tpu.memory_space<hbm>> -> memref<1x8xi32, #tpu.memory_space<hbm>>
      %dma_wait3A_13 = tpu.memref_squeeze %dma_wait3A_12 : memref<1x8xi32, #tpu.memory_space<hbm>> -> memref<8xi32, #tpu.memory_space<hbm>>
      %dma_wait3A_14 = arith.constant 0 : i32
      %dma_wait3A_15 = tpu.memref_slice %arg2[%add3A, %dma_wait3A_14] : memref<32x8xi32, #tpu.memory_space<hbm>> -> memref<1x8xi32, #tpu.memory_space<hbm>>
      %dma_wait3A_16 = tpu.memref_squeeze %dma_wait3A_15 : memref<1x8xi32, #tpu.memory_space<hbm>> -> memref<8xi32, #tpu.memory_space<hbm>>
      tpu.wait_dma2 semaphore(%run_scoped3A : memref<!tpu.dma_semaphore, #tpu.memory_space<semaphore_mem>>) src(%dma_wait3A_16 : memref<8xi32, #tpu.memory_space<hbm>>) dst(%arg5 : memref<8xi32, #tpu.memory_space<vmem>>)
      tpu.yield
    }) : () -> ()
    %dma_start3A = arith.constant 0 : i32
    %dma_start3A_1 = arith.constant 0 : i32
    %dma_start3A_2 = tpu.memref_slice %arg3[%dma_start3A, %dma_start3A_1] : memref<17x1280xf32, #tpu.memory_space<hbm>> -> memref<17x1280xf32, #tpu.memory_space<hbm>>
    tpu.enqueue_indirect_dma source(%dma_start3A_2 : memref<17x1280xf32, #tpu.memory_space<hbm>>) target(%arg6 : memref<8x1280xf32, #tpu.memory_space<vmem>>) offsets(%arg5 : memref<8xi32, #tpu.memory_space<vmem>>) semaphore(%arg7 : memref<!tpu.dma_semaphore, #tpu.memory_space<semaphore_mem>>)
    %dma_wait3A = arith.constant 0 : i32
    %dma_wait3A_3 = arith.constant 0 : i32
    %dma_wait3A_4 = tpu.memref_slice %arg3[%dma_wait3A, %dma_wait3A_3] : memref<17x1280xf32, #tpu.memory_space<hbm>> -> memref<17x1280xf32, #tpu.memory_space<hbm>>
    tpu.wait_indirect_dma semaphore(%arg7 : memref<!tpu.dma_semaphore, #tpu.memory_space<semaphore_mem>>) src(%dma_wait3A_4 : memref<17x1280xf32, #tpu.memory_space<hbm>>) dst(%arg6 : memref<8x1280xf32, #tpu.memory_space<vmem>>)
    "tpu.region"() ({
      %run_scoped3A = tpu.sem_alloc : memref<!tpu.dma_semaphore, #tpu.memory_space<semaphore_mem>>
      %dma_start3A_5 = arith.constant 0 : i32
      %dma_start3A_6 = arith.constant 0 : i32
      %dma_start3A_7 = tpu.memref_slice %arg4[%add3A, %dma_start3A_5, %dma_start3A_6] : memref<32x8x1280xf32, #tpu.memory_space<hbm>> -> memref<1x8x1280xf32, #tpu.memory_space<hbm>>
      %dma_start3A_8 = tpu.memref_squeeze %dma_start3A_7 : memref<1x8x1280xf32, #tpu.memory_space<hbm>> -> memref<8x1280xf32, #tpu.memory_space<hbm>>
      %dma_start3A_9 = arith.constant 0 : i32
      %dma_start3A_10 = arith.constant 0 : i32
      %dma_start3A_11 = tpu.memref_slice %arg4[%add3A, %dma_start3A_9, %dma_start3A_10] : memref<32x8x1280xf32, #tpu.memory_space<hbm>> -> memref<1x8x1280xf32, #tpu.memory_space<hbm>>
      %dma_start3A_12 = tpu.memref_squeeze %dma_start3A_11 : memref<1x8x1280xf32, #tpu.memory_space<hbm>> -> memref<8x1280xf32, #tpu.memory_space<hbm>>
      tpu.enqueue_dma source(%arg6 : memref<8x1280xf32, #tpu.memory_space<vmem>>) target(%dma_start3A_12 : memref<8x1280xf32, #tpu.memory_space<hbm>>) target_semaphore(%run_scoped3A : memref<!tpu.dma_semaphore, #tpu.memory_space<semaphore_mem>>)
      %dma_wait3A_13 = arith.constant 0 : i32
      %dma_wait3A_14 = arith.constant 0 : i32
      %dma_wait3A_15 = tpu.memref_slice %arg4[%add3A, %dma_wait3A_13, %dma_wait3A_14] : memref<32x8x1280xf32, #tpu.memory_space<hbm>> -> memref<1x8x1280xf32, #tpu.memory_space<hbm>>
      %dma_wait3A_16 = tpu.memref_squeeze %dma_wait3A_15 : memref<1x8x1280xf32, #tpu.memory_space<hbm>> -> memref<8x1280xf32, #tpu.memory_space<hbm>>
      %dma_wait3A_17 = arith.constant 0 : i32
      %dma_wait3A_18 = arith.constant 0 : i32
      %dma_wait3A_19 = tpu.memref_slice %arg4[%add3A, %dma_wait3A_17, %dma_wait3A_18] : memref<32x8x1280xf32, #tpu.memory_space<hbm>> -> memref<1x8x1280xf32, #tpu.memory_space<hbm>>
      %dma_wait3A_20 = tpu.memref_squeeze %dma_wait3A_19 : memref<1x8x1280xf32, #tpu.memory_space<hbm>> -> memref<8x1280xf32, #tpu.memory_space<hbm>>
      tpu.wait_dma2 semaphore(%run_scoped3A : memref<!tpu.dma_semaphore, #tpu.memory_space<semaphore_mem>>) src(%arg6 : memref<8x1280xf32, #tpu.memory_space<vmem>>) dst(%dma_wait3A_20 : memref<8x1280xf32, #tpu.memory_space<hbm>>)
      tpu.yield
    }) : () -> ()
    return
  }
}

</mosaic_0001>

<sc_bundles>
// kernel: _sc_rows.3.cloned.1.call-start
scs
__scs_entry_jumppad:
0x0: {  	(pc) =	sbr.rel $0x88, $3  }
0x1: {  	(tag) =	ssettag $0x0;
	lr =	simm.s32 $0x1  }
0x2: {  	[smem:$0x3F9F] =	sst lr;
	_ =	strace $0xD0000000  }
0x3: {  	_ = 	snop  }
0x4: {  	_ = 	snop  }
0x5: {  	_ = 	snop  }
0x6: {  	_ = 	snop  }
0x7: {  	_ = 	snop  }
__scs_overlays_trampoline_lowered:
0x8: {  	[smem:$0x3FAE] =	sst s0  }
0x9: {  	[smem:$0x3FAF] =	sst s1  }
0xa: {  	[smem:$0x3FB0] =	sst s2  }
0xb: {  	[smem:$0x3FB1] =	sst s3  }
0xc: {  	[smem:$0x3FB2] =	sst s4  }
0xd: {  	[smem:$0x3FB3] =	sst s5  }
0xe: {  	[smem:$0x3FB4] =	sst s6  }
0xf: {  	[smem:$0x3FB5] =	sst s7  }
0x10: {  	[smem:$0x3FB6] =	sst s8  }
0x11: {  	[smem:$0x3FB7] =	sst s9;
	s0 =	simm.s32 @!p0 $0x0  }
0x12: {  	s1 =	sld [smem:$0x3F9D];
	s0 =	simm.s32 @p0 $0x1  }
0x13: {  	[smem:$0x3FB8] =	sst s0;
	s0 =	simm.s32 @!p1 $0x0  }
0x14: {  	s2 =	sld [smem:$0x3F9C];
	s0 =	simm.s32 @p1 $0x1  }
0x15: {  	[smem:$0x3FB9] =	sst s0;
	s0 =	simm.s32 @!p2 $0x0  }
0x16: {  	s3 =	sld [smem:$0x3FDB];
	s0 =	simm.s32 @p2 $0x1  }
0x17: {  	s4 =	simm.s32 $0x1BF5;
	[smem:$0x3FBB] =	sst s0  }
0x18: {  	s0 =	sld [smem:$0x3F9E];
	_ =	swait.ge [sflag:s4], $0x0  }
0x19: {  	s7 =	sld [smem:$0x3F9F]  }
0x1a: {  	s8 =	sadd.s32 $0xFFFFE003, lr  }
0x1b: {  	s9 =	sadd.s32 $0xFFFFFEF7, lr;
	s5 =	simm.s32 $0xFFFFFFFF;
	p2 =	slt.u32 s8, $0xFFFFF086  }
0x1c: {  	p1 =	slt.u32 s9, $0xF7A;
	s5 =	simm.s32 @!p2 $0x0  }
0x1d: {  	s5 =	simm.s32 @p1 $0x1;
	p0 =	seq.s32 s7, s2  }
0x1e: {  	s7 =	smul.u32 @!p0 $0xF7A, s2;
	p2 =	seq.s32 @!p0 s5, $0x0  }
0x1f: {  	s9 =	smul.u32 $0xF7A, s1;
	s8 =	simm.s32 @!p0 $0x1BF5;
	p2 =	por !p2, p0  }
0x20: {  	[sflag:s8] =	ssyncset.s32 @!p0 $0xFFFFF086;
	s6 =	sadd.s32 @!p0 s3, s7;
	s7 =	simm.s32 @!p0 $0x108  }
0x21: {  	s3 =	sadd.s32 s3, s9;
	s6 =	sadd.s32 @!p0 $0x88, s6;
	s7 =	simm.s32 @p2 $0x1082  }
0x22: {  	[simem:s7], [sflag:s8] =	dma.local @!p0 [hbm:s6], $0xF7A  }
0x23: {  	s9 =	sor.u32 $0xD0000000, s2;
	s6 =	simm.s32 $0x108;
	_ =	swait.ge @!p0 [sflag:s8], $0x0  }
0x24: {  	s3 =	sadd.s32 $0x88, s3;
	s6 =	simm.s32 @!p1 $0x1082;
	[sflag:s4] =	ssyncset.s32 $0xFFFFF086  }
0x25: {  	[simem:s6], [sflag:s4] =	dma.local [hbm:s3], $0xF7A  }
0x26: {  	[smem:$0x3F9F] =	sst s1;
	(tag) =	ssettag s2;
	_ =	strace s9  }
0x27: {  	s1 =	sld [smem:$0x3FAF]  }
0x28: {  	s2 =	sld [smem:$0x3FB0]  }
0x29: {  	s4 =	sld [smem:$0x3FB2]  }
0x2a: {  	p0 =	seq.s32 s5, $0x0;
	s5 =	sld [smem:$0x3FB3]  }
0x2b: {  	s6 =	sld [smem:$0x3FB4]  }
0x2c: {  	s7 =	sld [smem:$0x3FB5]  }
0x2d: {  	s3 =	simm.s32 $0x108;
	s8 =	sld [smem:$0x3FB6]  }
0x2e: {  	s3 =	simm.s32 @!p0 $0x1082;
	s9 =	sld [smem:$0x3FB7]  }
0x2f: {  	lr =	sadd.s32 s0, s3;
	s0 =	sld [smem:$0x3FAE]  }
0x30: {  	s3 =	sld [smem:$0x3FB1]  }
0x31: {  	[smem:$0x3FBA] =	sst s10  }
0x32: {  	s10 =	sld [smem:$0x3FB8];
	_ =	sdelay $0x3  }
0x33: {  	p0 =	seq.s32 s10, $0x1;
	s10 =	sld [smem:$0x3FBA];
	_ =	sdelay $0x3  }
0x34: {  	[smem:$0x3FBA] =	sst s10  }
0x35: {  	s10 =	sld [smem:$0x3FB9];
	_ =	sdelay $0x3  }
0x36: {  	p1 =	seq.s32 s10, $0x1;
	s10 =	sld [smem:$0x3FBA];
	_ =	sdelay $0x3  }
0x37: {  	[smem:$0x3FBA] =	sst s10  }
0x38: {  	s10 =	sld [smem:$0x3FBB]  }
0x39: {  	_ = 	snop;
	(pc) =	sbr.ind lr, $3  }
0x3a: {  	_ = 	snop  }
0x3b: {  	_ = 	snop  }
0x3c: {  	p2 =	seq.s32 s10, $0x1;
	s10 =	sld [smem:$0x3FBA]  }
0x3d: {  	_ =	shalt  }
0x3e: {  	_ =	shalt  }
0x3f: {  	_ =	shalt  }
0x40: {  	_ =	shalt  }
0x41: {  	_ =	shalt  }
0x42: {  	_ =	shalt  }
0x43: {  	_ =	shalt  }
0x44: {  	_ =	shalt  }
0x45: {  	_ =	shalt  }
0x46: {  	_ =	shalt  }
0x47: {  	_ =	shalt  }
0x48: {  	_ =	shalt  }
0x49: {  	_ =	shalt  }
0x4a: {  	_ =	shalt  }
0x4b: {  	_ =	shalt  }
0x4c: {  	_ =	shalt  }
0x4d: {  	_ =	shalt  }
0x4e: {  	_ =	shalt  }
0x4f: {  	_ =	shalt  }
0x50: {  	_ =	shalt  }
0x51: {  	_ =	shalt  }
0x52: {  	_ =	shalt  }
0x53: {  	_ =	shalt  }
0x54: {  	_ =	shalt  }
0x55: {  	_ =	shalt  }
0x56: {  	_ =	shalt  }
0x57: {  	_ =	shalt  }
0x58: {  	_ =	shalt  }
0x59: {  	_ =	shalt  }
0x5a: {  	_ =	shalt  }
0x5b: {  	_ =	shalt  }
0x5c: {  	_ =	shalt  }
0x5d: {  	_ =	shalt  }
0x5e: {  	_ =	shalt  }
0x5f: {  	_ =	shalt  }
0x60: {  	_ =	shalt  }
0x61: {  	_ =	shalt  }
0x62: {  	_ =	shalt  }
0x63: {  	_ =	shalt  }
0x64: {  	_ =	shalt  }
0x65: {  	_ =	shalt  }
0x66: {  	_ =	shalt  }
0x67: {  	_ =	shalt  }
0x68: {  	_ =	shalt  }
0x69: {  	_ =	shalt  }
0x6a: {  	_ =	shalt  }
0x6b: {  	_ =	shalt  }
0x6c: {  	_ =	shalt  }
0x6d: {  	_ =	shalt  }
0x6e: {  	_ =	shalt  }
0x6f: {  	_ =	shalt  }
0x70: {  	_ =	shalt  }
0x71: {  	_ =	shalt  }
0x72: {  	_ =	shalt  }
0x73: {  	_ =	shalt  }
0x74: {  	_ =	shalt  }
0x75: {  	_ =	shalt  }
0x76: {  	_ =	shalt  }
0x77: {  	_ =	shalt  }
0x78: {  	_ =	shalt  }
0x79: {  	_ =	shalt  }
0x7a: {  	_ =	shalt  }
0x7b: {  	_ =	shalt  }
0x7c: {  	_ =	shalt  }
0x7d: {  	_ =	shalt  }
0x7e: {  	_ =	shalt  }
0x7f: {  	_ =	shalt  }
0x80: {  	_ =	shalt  }
0x81: {  	_ =	shalt  }
0x82: {  	_ =	shalt  }
0x83: {  	_ =	shalt  }
0x84: {  	_ =	shalt  }
0x85: {  	_ =	shalt  }
0x86: {  	_ =	shalt  }
0x87: {  	_ =	shalt  }
.Lfunc_end0:
.L_simem_size_0:
called_computation_lowered:
.L_overlay_start_0:
0x88: {  	s2 =	sld [smem:$0x3FD9]  }
0x89: {  	s3 =	sld [smem:$0x3FFE];
	_ =	sdelay $0x1  }
0x8a: {  	s1 =	srdreg.scid  }
0x8b: {  	s0 =	sand.u32 $0x1, s1  }
0x8c: {  	s17 =	sshll.u32 s0, $0xA;
	s2 =	sadd.s32 s3, s2  }
0x8d: {  	s2 =	sadd.s32 s2, s17  }
0x8e: {  	[smem:$0x3FC6] =	sst s2  }
0x8f: {  	_ = 	snop  }
0x90: {  	s2 =	sld [smem:$0x3FC8]  }
0x91: {  	s18 =	sld [smem:$0x3FD0];
	(tm) =	ssettm $0x1  }
0x92: {  	s4 =	sld [smem:$0x3FFB];
	_ =	sdelay $0x3  }
0x93: {  	_ =	strace s4  }
0x94: {  	s4 =	sld [smem:$0x3FFC];
	_ =	sdelay $0x3  }
0x95: {  	_ =	strace s4  }
0x96: {  	s4 =	sld [smem:$0x3FFD];
	_ =	sdelay $0x3  }
0x97: {  	_ =	strace s4  }
0x98: {  	_ =	strace $0x8FFFFFFF  }
0x99: {  	s19 =	sld [smem:$0x3FDB];
	_ =	sdelay $0x1  }
0x9a: {  	s5 =	simm.s32 $_scs_section_size  }
0x9b: {  	s6 =	simm.s32 $_size__tile_overlayer_lowered;
	s7 =	simm.s32 $_tile_overlayer_lowered  }
0x9c: {  	s22 =	simm.s32 $0x1BFF;
	s21 =	sshll.u32 s7, $0x1;
	s4 =	sadd.s32 s5, s19  }
0x9d: {  	s8 =	simm.s32 $0x0;
	s20 =	sshll.u32 s6, $0x1;
	s6 =	sadd.s32 s21, s4  }
0x9e: {  	[timem:s8], [sflag:s22] =	dma.local [hbm:s6], s20  }
0x9f: {  	_ =	swait.ge [sflag:s22], s20  }
0xa0: {  	s5 =	ssub.s32 $0x0, s20;
	[sflag:s22] =	ssyncset.done $0x0  }
0xa1: {  	[sflag:s22] =	ssyncadd.s32 s5;
	_ =	sdelay $0x1  }
0xa2: {  	s23 =	simm.s32 $0x1B8B  }
0xa3: {  	_ =	swait.ge [sflag:s23], $0x1  }
0xa4: {  	[sflag:s23] =	ssyncset.done $0x0  }
0xa5: {  	s25 =	simm.s32 $0x1B8E;
	s24 =	sld [smem:$0x3FFE];
	[sflag:s23] =	ssyncadd.s32 $0xFFFFFFFF  }
0xa6: {  	s26 =	simm.s32 $execute0_lowered;
	[smem:$0x3FD2] =	sst s25  }
0xa7: {  	s6 =	sshll.u32 s26, $0x1;
	_ =	strace $0x80000046;
	[dreg:$0x1] =	wrdreg $0xFFFFFFFF  }
0xa8: {  	s28 =	simm.s32 $_size_execute0_lowered;
	s4 =	sadd.s32 s4, s6;
	[dreg:$0x0] =	wrdreg $0x0  }
0xa9: {  	s6 =	sshll.u32 s28, $0x1;
	[dreg:$0x2] =	wrdreg s4  }
0xaa: {  	[dreg:$0x3] =	wrdreg s6  }
0xab: {  	[dreg:$0x4] =	wrdreg $0xC0  }
0xac: {  	_ =	task [dreg:s8], $0x5FFFF  }
0xad: {  	[dreg:$0x1] =	wrdreg $0xFFFFFFFF  }
0xae: {  	[dreg:$0x0] =	wrdreg $0x60  }
0xaf: {  	[dreg:$0x2] =	wrdreg s24  }
0xb0: {  	[dreg:$0x3] =	wrdreg s2  }
0xb1: {  	[dreg:$0x4] =	wrdreg s18  }
0xb2: {  	[dreg:$0x5] =	wrdreg $0x9  }
0xb3: {  	_ =	task.clear_ibuf [dreg:s8], $0x6FFFF;
	_ =	strace $0x90000046  }
0xb4: {  	s29 =	simm.s32 $0x9;
	_ =	strace $0x80000048  }
0xb5: {  	_ =	swait.ge [sflag:s29], $0x1  }
0xb6: {  	[sflag:s29] =	ssyncadd.s32 $0xFFFFFFFF  }
0xb7: {  	_ =	strace $0x90000048  }
0xb8: {  	_ =	sfence  }
0xb9: {  	s30 =	sld [smem:$0x0];
	_ =	sdelay $0x2  }
0xba: {  	s31 =	sshll.u32 s1, $0xD;
	s1 =	sshrl.u32 s1, $0x2  }
0xbb: {  	s3 =	sand.u32 $0x4000, s31;
	s1 =	sadd.s32 s1, s30  }
0xbc: {  	s0 =	sor.u32 s3, s0;
	s1 =	sshll.u32 s1, $0x11  }
0xbd: {  	s0 =	sor.u32 s1, s0  }
0xbe: {  	s0 =	sadd.s32 $0x8F2B, s0  }
0xbf: {  	[sflag:s0] =	ssyncadd.remote.s32 $0x1  }
0xc0: {  	_ =	sfence.sel $0xFFFF  }
0xc1: {  	[dreg:$0x0] =	wrdreg $0xFFFFFFFF;
	(pc) =	sbr.abs _section_cstart, $3  }
0xc2: {  	[dreg:$0x1] =	wrdreg $0xFFFFFFFF  }
0xc3: {  	_ =	task.clear_ibuf [dreg:s8], $0x2FFFF;
	_ =	strace $0x9FFFFFFF  }
0xc4: {  	(tm) =	ssettm $0x7FFFFFFF  }
0xc5: {  	_ =	shalt  }
tec
execute0_lowered:
.L_overlay_start_1:
0x0: {  	(tag) =	ssettag $0x1  }
0x1: {  	s4 =	rddreg [dreg:$0x0]  }
0x2: {  	s1 =	srdreg.scid;
	s0 =	stileid.u32  }
0x3: {  	s2 =	rddreg [dreg:$0x1];
	s11 =	sand.u32 $0x1, s1;
	s30 =	sshll.u32 s0, $0x1  }
0x4: {  	s16 =	rddreg [dreg:$0x2];
	s17 =	sor.u32 s11, s30  }
0x5: {  	s3 =	simm.s32 $0x0;
	s1 =	rddreg [dreg:$0x3];
	s5 =	sshll.u32 s17, $0x4  }
0x6: {  	[smem:$0x7FF] =	sst s3;
	s4 =	sadd.s32 s5, s4  }
0x7: {  	_ =	strace $0x80000047;
	s5 =	sadd.s32 $0x400, s4;
	s4 =	simm.s32 $0x2  }
0x8: {  	[tilespmem:s3], [sflag:$0x2] =	stream.linear.gather [hbm4b:s5+s3], $0x80, $0x38;
	[tilespmem:$0x2880] =	vst v63  }
0x9: {  	_ =	swait.ge [sflag:s4], $0x80  }
0xa: {  	[sflag:s4] =	ssyncset.done $0x0  }
0xb: {  	[sflag:s4] =	ssyncadd.s32 $0xFFFFFF80  }
0xc: {  	v0 =	vld.msk [tilespmem:$0x0], $0xff;
	_ =	sdelay $0x4  }
0xd: {  	v1 =	vshrl.u32 v0, $0x3  }
0xe: {  	v1 =	vmul.u32 $0x50, v1  }
0xf: {  	v2 =	vlaneseq.u32;
	v3 =	vand.u32 $0x7, v0  }
0x10: {  	v0 =	vand.u32 $0x7, v2;
	v2 =	vshrl.u32 v2, $0x3;
	v3 =	vor.u32 v3, v1  }
0x11: {  	v1 =	vmul.u32 $0x8, v2;
	v2 =	vperm.xlane v3, v0;
	_ =	sdelay $0x1  }
0x12: {  	v2 =	vadd.s32 v1, v2;
	_ =	sdelay $0x3  }
0x13: {  	vm0 =	vmmov $0xffff;
	s6 =	simm.s32 $0x80;
	s8 =	simm.s32 $0x880  }
0x14: {  	[tilespmem:s6], [sflag:$0x1] =	stream.indirect_vreg.gather [hbm4b:s2+s3], $0x80, v2, vm0, $0xb8;
	[tilespmem:$0x2880] =	vst v63  }
0x15: {  	s10 =	simm.s32 $0x1080;
	s7 =	sadd.s32 $0x100, s2;
	s18 =	ssub.s32 $0x2, s11  }
0x16: {  	[tilespmem:s8], [sflag:$0x1] =	stream.indirect_vreg.gather [hbm4b:s7+s3], $0x80, v2, vm0, $0xb8;
	[tilespmem:$0x2880] =	vst v63  }
0x17: {  	s12 =	simm.s32 $0x1880;
	s9 =	sadd.s32 $0x200, s2;
	s19 =	sshrl.u32 s18, $0x1  }
0x18: {  	[tilespmem:s10], [sflag:$0x1] =	stream.indirect_vreg.gather [hbm4b:s9+s3], $0x80, v2, vm0, $0xb8;
	[tilespmem:$0x2880] =	vst v63  }
0x19: {  	s14 =	simm.s32 $0x2080;
	s11 =	sadd.s32 $0x300, s2;
	s18 =	ssub.s32 s18, s19  }
0x1a: {  	[tilespmem:s12], [sflag:$0x1] =	stream.indirect_vreg.gather [hbm4b:s11+s3], $0x80, v2, vm0, $0xb8;
	[tilespmem:$0x2880] =	vst v63  }
0x1b: {  	s15 =	simm.s32 $0x1;
	s13 =	sadd.s32 $0x400, s2;
	s31 =	smax.u32 s18, $0x1  }
0x1c: {  	[tilespmem:s14], [sflag:$0x1] =	stream.indirect_vreg.gather [hbm4b:s13+s3], $0x80, v2, vm0, $0xb8;
	[tilespmem:$0x2880] =	vst v63  }
0x1d: {  	s17 =	smul.u32 $0x500, s17;
	p0 =	sne.s32 s31, $0x1;
	_ =	swait.ge [sflag:s15], $0x2800  }
.Ltmp0:
0x1e: {  	[sflag:s15] =	ssyncset.done $0x0;
	(pc) =	sbr.rel @!p0 .LBB2_2-.Ltmp0, $4  }
0x1f: {  	s16 =	sadd.s32 s16, s17;
	[sflag:s15] =	ssyncadd.s32 $0xFFFFD800  }
0x20: {  	[hbm4b:s16+s3] =	stream.linear.scatter [tilespmem:s6], [sflag:$0x2], $0x2800, $0x38;
	[tilespmem:$0x2880] =	vst v63  }
0x21: {  	_ =	swait.ge [sflag:s4], $0x2800  }
0x22: {  	s17 =	sadd.s32 $0xFFFFFFFF, s31;
	[sflag:s4] =	ssyncset.done $0x0  }
.LBB2_1:
0x23: {  	p0 =	sne.s32 s17, $0x1;
	s17 =	sadd.s32 $0xFFFFFFFF, s17;
	[sflag:s4] =	ssyncadd.s32 $0xFFFFD800  }
0x24: {  	[tilespmem:s3], [sflag:$0x2] =	stream.linear.gather [hbm4b:s5+s3], $0x80, $0x38;
	[tilespmem:$0x2880] =	vst v63  }
0x25: {  	_ =	swait.ge [sflag:s4], $0x80  }
0x26: {  	[sflag:s4] =	ssyncset.done $0x0  }
0x27: {  	[sflag:s4] =	ssyncadd.s32 $0xFFFFFF80  }
0x28: {  	v2 =	vld.msk [tilespmem:$0x0], $0xff;
	_ =	sdelay $0x4  }
0x29: {  	v3 =	vshrl.u32 v2, $0x3  }
0x2a: {  	v3 =	vmul.u32 $0x50, v3  }
0x2b: {  	v2 =	vand.u32 $0x7, v2  }
0x2c: {  	v2 =	vor.u32 v2, v3  }
0x2d: {  	v2 =	vperm.xlane v2, v0;
	_ =	sdelay $0x1  }
0x2e: {  	v2 =	vadd.s32 v1, v2;
	_ =	sdelay $0x4  }
0x2f: {  	[tilespmem:s6], [sflag:$0x1] =	stream.indirect_vreg.gather [hbm4b:s2+s3], $0x80, v2, vm0, $0xb8;
	[tilespmem:$0x2880] =	vst v63  }
0x30: {  	_ = 	snop  }
0x31: {  	[tilespmem:s8], [sflag:$0x1] =	stream.indirect_vreg.gather [hbm4b:s7+s3], $0x80, v2, vm0, $0xb8;
	[tilespmem:$0x2880] =	vst v63  }
0x32: {  	_ = 	snop  }
0x33: {  	[tilespmem:s10], [sflag:$0x1] =	stream.indirect_vreg.gather [hbm4b:s9+s3], $0x80, v2, vm0, $0xb8;
	[tilespmem:$0x2880] =	vst v63  }
0x34: {  	_ = 	snop  }
0x35: {  	[tilespmem:s12], [sflag:$0x1] =	stream.indirect_vreg.gather [hbm4b:s11+s3], $0x80, v2, vm0, $0xb8;
	[tilespmem:$0x2880] =	vst v63  }
0x36: {  	_ = 	snop  }
0x37: {  	[tilespmem:s14], [sflag:$0x1] =	stream.indirect_vreg.gather [hbm4b:s13+s3], $0x80, v2, vm0, $0xb8;
	[tilespmem:$0x2880] =	vst v63  }
0x38: {  	_ =	swait.ge [sflag:s15], $0x2800  }
.Ltmp1:
0x39: {  	[sflag:s15] =	ssyncset.done $0x0;
	(pc) =	sbr.rel @p0 .LBB2_1-.Ltmp1, $4  }
0x3a: {  	[sflag:s15] =	ssyncadd.s32 $0xFFFFD800  }
0x3b: {  	[hbm4b:s16+s3] =	stream.linear.scatter [tilespmem:s6], [sflag:$0x2], $0x2800, $0x38;
	[tilespmem:$0x2880] =	vst v63  }
0x3c: {  	_ =	swait.ge [sflag:s4], $0x2800  }
0x3d: {  	[sflag:s4] =	ssyncset.done $0x0  }
.LBB2_2:
0x3e: {  	[sflag:s4] =	ssyncadd.s32 $0xFFFFD800  }
0x3f: {  	_ =	sfence.sel $0x180000  }
0x40: {  	[bflag:$0x0] =	sbarrier.arrive $0xFFFF  }
0x41: {  	p0 =	sne.s32 s0, $0x0;
	_ =	strace $0x90000047  }
0x42: {  	s0 =	sadd.s32 @!p0 $0x100000, s1;
	[bflag:$0x2] =	sbarrier.arrive $0xFFFF  }
0x43: {  	[sflag:s0] =	ssyncadd.tile.s32 @!p0 $0x1;
	_ =	shalt  }
.Lfunc_end2:
_tile_overlayer_lowered:
.L_overlay_start_2:
0x44: {  	(tag) =	ssettag $0x2  }
0x45: {  	s0 =	rddreg [dreg:$0x0];
	s2 =	stileid.u32  }
0x46: {  	s1 =	rddreg [dreg:$0x1];
	p0 =	sne.s32 s2, $0x0  }
0x47: {  	s3 =	rddreg [dreg:$0x2];
	[bflag:$0x3] =	sbarrier.arrive $0xFFFF;
	s2 =	simm.s32 @!p0 $0x1C02  }
0x48: {  	[timem:s3], [sflag:s2] =	dma.local @!p0 [hbm:s0], s1  }
0x49: {  	s0 =	simm.s32 @!p0 $0x2  }
0x4a: {  	_ =	swait.ge @!p0 [sflag:s0], s1  }
0x4b: {  	s1 =	ssub.s32 @!p0 $0x0, s1;
	[sflag:s0] =	ssyncset.done @!p0 $0x0  }
0x4c: {  	[sflag:s0] =	ssyncadd.s32 @!p0 s1  }
0x4d: {  	[bflag:$0x3] =	sbarrier.arrive $0xFFFF  }
0x4e: {  	_ =	shalt  }

</sc_bundles>
